<compile_context>
chip_gen: v7x
topology: tpu7x:2x2x1
jax: 0.10.2.dev20260603
libtpu: 0.0.44.dev20260713+nightly
codegen_flags: <defaults>
</compile_context>

<pallas_src>
import functools

import jax
import jax.numpy as jnp
from jax import lax
from jax.experimental import pallas as pl
from jax.experimental.pallas import tpu as pltpu
from jax.experimental.pallas import tpu_sc as plsc

_N_NODES = 10000


def _edge_body(pair_ref, x_ref, wp_ref, h_ref):
    h_ref[...] = (
        jnp.dot(pair_ref[...], wp_ref[...], preferred_element_type=jnp.float32)
        * x_ref[...]
    )


def _edge_transform(pair_basis, x, W_pair, block_e):
    E, H = x.shape
    P = pair_basis.shape[1]
    return pl.pallas_call(
        _edge_body,
        grid=(E // block_e,),
        in_specs=[
            pl.BlockSpec((block_e, P), lambda b: (b, 0)),
            pl.BlockSpec((block_e, H), lambda b: (b, 0)),
            pl.BlockSpec((P, H), lambda b: (0, 0)),
        ],
        out_specs=pl.BlockSpec((block_e, H), lambda b: (b, 0)),
        out_shape=jax.ShapeDtypeStruct((E, H), jnp.float32),
    )(pair_basis, x, W_pair)


@functools.lru_cache(maxsize=None)
def _make_scatter(E, N, H, CH):
    NC, NS = 2, 16
    NW = NC * NS
    GC = CH
    n_g = E // GC
    max_g_pt = -(-n_g // NW)
    rows_pt = N // NS
    mesh = plsc.VectorSubcoreMesh(
        core_axis_name="c", subcore_axis_name="s", num_cores=NC, num_subcores=NS
    )

    @functools.partial(
        pl.kernel,
        mesh=mesh,
        out_type=jax.ShapeDtypeStruct((NC * N, H), jnp.float32),
        scratch_types=[
            pltpu.VMEM((GC, H), jnp.float32),
            pltpu.VMEM((GC, H), jnp.float32),
            pltpu.VMEM((max_g_pt, CH), jnp.int32),
            pltpu.VMEM_SHARED((N, H), jnp.float32),
            pltpu.SemaphoreType.DMA,
            pltpu.SemaphoreType.DMA,
            pltpu.SemaphoreType.DMA,
        ],
        compiler_params=pltpu.CompilerParams(use_tc_tiling_on_sc=False),
    )
    def scatter(h_hbm, idx_hbm, zeros_hbm, out_hbm, h0, h1, idxall, acc, s0, s1, sz):
        cid = lax.axis_index("c")
        sid = lax.axis_index("s")
        wid = sid * NC + cid
        lo = (wid * n_g) // NW
        hi = ((wid + 1) * n_g) // NW
        zslice = acc.at[pl.ds(sid * rows_pt, rows_pt)]
        pltpu.async_copy(zeros_hbm, zslice, sz)
        pltpu.async_copy(idx_hbm.at[pl.ds(lo, max_g_pt)], idxall, s0)
        pltpu.make_async_copy(zeros_hbm, zslice, sz).wait()
        pltpu.make_async_copy(idx_hbm.at[pl.ds(0, max_g_pt)], idxall, s0).wait()
        plsc.subcore_barrier()

        def gather(g, hbuf, sem):
            pltpu.async_copy(h_hbm.at[pl.ds(g * GC, GC)], hbuf, sem)

        def gwait(hbuf, sem):
            pltpu.make_async_copy(h_hbm.at[pl.ds(0, GC)], hbuf, sem).wait()

        def scat(g, hbuf):
            pltpu.sync_copy(hbuf, acc.at[idxall.at[g - lo]], add=True)

        @pl.when(lo < hi)
        def _():
            gather(lo, h0, s0)

        def body(k, carry):
            g0 = lo + 2 * k
            g1 = g0 + 1
            gwait(h0, s0)

            @pl.when(g1 < hi)
            def _():
                gather(g1, h1, s1)

            scat(g0, h0)

            @pl.when(g1 < hi)
            def _():
                gwait(h1, s1)

                @pl.when(g1 + 1 < hi)
                def _():
                    gather(g1 + 1, h0, s0)

                scat(g1, h1)

            return carry

        lax.fori_loop(0, (hi - lo + 1) // 2, body, 0)
        plsc.subcore_barrier()
        pltpu.sync_copy(
            acc.at[pl.ds(sid * rows_pt, rows_pt)],
            out_hbm.at[pl.ds(cid * N + sid * rows_pt, rows_pt)],
        )

    return scatter


def _mlp_body(p0_ref, p1_ref, w1_ref, w2_ref, b2_ref, w3_ref, o_ref):
    agg = p0_ref[...] + p1_ref[...]
    z = jnp.dot(agg, w1_ref[...], preferred_element_type=jnp.float32)
    z = z * jax.nn.sigmoid(z)
    z = jnp.dot(z, w2_ref[...], preferred_element_type=jnp.float32) + b2_ref[...]
    z = z * jax.nn.sigmoid(z)
    o_ref[...] = jnp.dot(z, w3_ref[...], preferred_element_type=jnp.float32)


def _node_mlp(p0, p1, W1, W2, b2, W3, block_n):
    N, H = p0.shape
    D1 = W1.shape[1]
    OC = W3.shape[1]
    pspec = pl.BlockSpec((block_n, H), lambda b: (b, 0))
    return pl.pallas_call(
        _mlp_body,
        grid=(N // block_n,),
        in_specs=[
            pspec,
            pspec,
            pl.BlockSpec((H, D1), lambda b: (0, 0)),
            pl.BlockSpec((D1, D1), lambda b: (0, 0)),
            pl.BlockSpec((1, D1), lambda b: (0, 0)),
            pl.BlockSpec((D1, OC), lambda b: (0, 0)),
        ],
        out_specs=pl.BlockSpec((block_n, OC), lambda b: (b, 0)),
        out_shape=jax.ShapeDtypeStruct((N, OC), jnp.float32),
    )(p0, p1, W1, W2, b2.reshape(1, -1), W3)


def kernel(x, pair_basis, i, num_nodes, W_pair, W1, W2, b2, W3):
    E, H = x.shape
    N = _N_NODES
    CH = 128
    ES = E // 2

    seg = i.astype(jnp.int32) % num_nodes
    idx2 = seg.reshape(E // CH, CH)
    zeros = jnp.zeros((N // 16, H), jnp.float32)

    h = _edge_transform(pair_basis, x, W_pair, block_e=6400)
    parts = _make_scatter(E, N, H, CH)(h, idx2, zeros)

    out = _node_mlp(parts[:N], parts[N:], W1, W2, b2, W3, block_n=2000)
    return out

# --- scband reference (transcript-rebuilt; emitter-appended) ---
"""Pipeline reference for scband-output-block-18562848654098 (READ-ONLY COPY).

The authoritative reference and input builder live on the scoring server;
editing this copy changes nothing except your own understanding.
"""

import jax, jax.numpy as jnp
import numpy as np

N_EDGES = 320000
N_NODES = 10000
PAIR_DIM = 16
HIDDEN = 128
OUT_EMB = 256
OUT_CH = 128


def setup_inputs(seed: int = 0) -> dict:
    key = jax.random.key(seed)
    ks = jax.random.split(key, 10)
    x = jax.random.normal(ks[0], (N_EDGES, HIDDEN), dtype=jnp.float32)
    pair_basis = jax.random.normal(ks[1], (N_EDGES, PAIR_DIM), dtype=jnp.float32)
    i = jnp.sort(jax.random.randint(ks[2], (N_EDGES,), 0, N_NODES, dtype=jnp.int32)).astype(jnp.int64)
    # parameters (torch Linear init-style scaling)
    W_pair = jax.random.normal(ks[3], (PAIR_DIM, HIDDEN), dtype=jnp.float32) / np.sqrt(PAIR_DIM)
    W1 = jax.random.normal(ks[4], (HIDDEN, OUT_EMB), dtype=jnp.float32) / np.sqrt(HIDDEN)
    W2 = jax.random.normal(ks[5], (OUT_EMB, OUT_EMB), dtype=jnp.float32) / np.sqrt(OUT_EMB)
    b2 = jax.random.normal(ks[6], (OUT_EMB,), dtype=jnp.float32) * 0.01
    W3 = jax.random.normal(ks[7], (OUT_EMB, OUT_CH), dtype=jnp.float32) / np.sqrt(OUT_EMB)
    return {"x": x, "pair_basis": pair_basis, "i": i, "num_nodes": N_NODES,
            "W_pair": W_pair, "W1": W1, "W2": W2, "b2": b2, "W3": W3}


def reference(x, pair_basis, i, num_nodes, W_pair, W1, W2, b2, W3):
    # lin_pair (no bias) elementwise-gated with x
    h = (pair_basis @ W_pair) * x
    # scatter_add over destination nodes
    seg_ids = i.astype(jnp.int32) % num_nodes
    agg = jax.ops.segment_sum(h, seg_ids, num_segments=N_NODES)
    # out_network: Dropout(p=0) -> Linear(no bias) -> SiLU -> Dropout -> Linear(bias) -> SiLU -> Linear(no bias)
    z = agg @ W1
    z = jax.nn.silu(z)
    z = z @ W2 + b2
    z = jax.nn.silu(z)
    out = z @ W3
    return out

if __name__ == "__main__":
    import jax
    _d = setup_inputs()
    print(jax.jit(kernel)(*tuple(_d.values())))

</pallas_src>

<mosaic_0001>
#map = affine_map<(d0, d1) -> (0, 0)>
module attributes {stable_mosaic.version = 14 : i64} {
  func.func @scatter(%arg0: i32, %arg1: i32, %arg2: memref<320000x128xf32, #tpu.memory_space<hbm>>, %arg3: memref<2500x128xi32, #tpu.memory_space<hbm>>, %arg4: memref<625x128xf32, #tpu.memory_space<hbm>>, %arg5: memref<20000x128xf32, #tpu.memory_space<hbm>>, %arg6: memref<128x128xf32, #tpu.memory_space<vmem>>, %arg7: memref<128x128xf32, #tpu.memory_space<vmem>>, %arg8: memref<79x128xi32, #tpu.memory_space<vmem>>, %arg9: memref<10000x128xf32, #tpu.memory_space<vmem_shared>>, %arg10: memref<!tpu.dma_semaphore, #tpu.memory_space<semaphore_mem>>, %arg11: memref<!tpu.dma_semaphore, #tpu.memory_space<semaphore_mem>>, %arg12: memref<!tpu.dma_semaphore, #tpu.memory_space<semaphore_mem>>) attributes {dimension_semantics = [#tpu.dimension_semantics<core_parallel>, #tpu.dimension_semantics<subcore_parallel>], iteration_bounds = array<i64: 2, 16>, scalar_prefetch = 0 : i64, scratch_operands = 7 : i64, tpu.core_type = #tpu.core_type<sc_vector_subcore>, window_params = [{transform_indices = #map}, {transform_indices = #map}, {transform_indices = #map}, {transform_indices = #map}]} {
    %mul3A = arith.constant 2 : i32
    %mul3A_0 = arith.muli %arg1, %mul3A : i32
    %add3A = arith.addi %mul3A_0, %arg0 : i32
    %mul3A_1 = arith.constant 2500 : i32
    %mul3A_2 = arith.muli %add3A, %mul3A_1 : i32
    %jit3A = arith.constant 32 : i32
    %div3A = arith.divsi %mul3A_2, %jit3A : i32
    %sign3A = arith.constant 0 : i32
    %sign3A_3 = arith.cmpi sgt, %mul3A_2, %sign3A : i32
    %sign3A_4 = arith.extui %sign3A_3 : i1 to i32
    %sign3A_5 = arith.constant 0 : i32
    %sign3A_6 = arith.cmpi slt, %mul3A_2, %sign3A_5 : i32
    %sign3A_7 = arith.extui %sign3A_6 : i1 to i32
    %sign3A_8 = arith.subi %sign3A_4, %sign3A_7 : i32
    %sign3A_9 = arith.constant 0 : i32
    %sign3A_10 = arith.cmpi sgt, %jit3A, %sign3A_9 : i32
    %sign3A_11 = arith.extui %sign3A_10 : i1 to i32
    %sign3A_12 = arith.constant 0 : i32
    %sign3A_13 = arith.cmpi slt, %jit3A, %sign3A_12 : i32
    %sign3A_14 = arith.extui %sign3A_13 : i1 to i32
    %sign3A_15 = arith.subi %sign3A_11, %sign3A_14 : i32
    %ne3A = arith.cmpi ne, %sign3A_8, %sign3A_15 : i32
    %rem3A = arith.remsi %mul3A_2, %jit3A : i32
    %ne3A_16 = arith.constant 0 : i32
    %ne3A_17 = arith.cmpi ne, %rem3A, %ne3A_16 : i32
    %and3A = arith.andi %ne3A, %ne3A_17 : i1
    %sub3A = arith.constant 1 : i32
    %sub3A_18 = arith.subi %div3A, %sub3A : i32
    %select_n3A = arith.select %and3A, %sub3A_18, %div3A : i32
    %add3A_19 = arith.constant 1 : i32
    %add3A_20 = arith.addi %add3A, %add3A_19 : i32
    %mul3A_21 = arith.constant 2500 : i32
    %mul3A_22 = arith.muli %add3A_20, %mul3A_21 : i32
    %jit3A_23 = arith.constant 32 : i32
    %div3A_24 = arith.divsi %mul3A_22, %jit3A_23 : i32
    %sign3A_25 = arith.constant 0 : i32
    %sign3A_26 = arith.cmpi sgt, %mul3A_22, %sign3A_25 : i32
    %sign3A_27 = arith.extui %sign3A_26 : i1 to i32
    %sign3A_28 = arith.constant 0 : i32
    %sign3A_29 = arith.cmpi slt, %mul3A_22, %sign3A_28 : i32
    %sign3A_30 = arith.extui %sign3A_29 : i1 to i32
    %sign3A_31 = arith.subi %sign3A_27, %sign3A_30 : i32
    %sign3A_32 = arith.constant 0 : i32
    %sign3A_33 = arith.cmpi sgt, %jit3A_23, %sign3A_32 : i32
    %sign3A_34 = arith.extui %sign3A_33 : i1 to i32
    %sign3A_35 = arith.constant 0 : i32
    %sign3A_36 = arith.cmpi slt, %jit3A_23, %sign3A_35 : i32
    %sign3A_37 = arith.extui %sign3A_36 : i1 to i32
    %sign3A_38 = arith.subi %sign3A_34, %sign3A_37 : i32
    %ne3A_39 = arith.cmpi ne, %sign3A_31, %sign3A_38 : i32
    %rem3A_40 = arith.remsi %mul3A_22, %jit3A_23 : i32
    %ne3A_41 = arith.constant 0 : i32
    %ne3A_42 = arith.cmpi ne, %rem3A_40, %ne3A_41 : i32
    %and3A_43 = arith.andi %ne3A_39, %ne3A_42 : i1
    %sub3A_44 = arith.constant 1 : i32
    %sub3A_45 = arith.subi %div3A_24, %sub3A_44 : i32
    %select_n3A_46 = arith.select %and3A_43, %sub3A_45, %div3A_24 : i32
    %mul3A_47 = arith.constant 625 : i32
    %mul3A_48 = arith.muli %arg1, %mul3A_47 : i32
    %dma_start3A = arith.constant 0 : i32
    %dma_start3A_49 = tpu.memref_slice %arg9[%mul3A_48, %dma_start3A] : memref<10000x128xf32, #tpu.memory_space<vmem_shared>> -> memref<625x128xf32, #tpu.memory_space<vmem_shared>>
    tpu.enqueue_dma source(%arg4 : memref<625x128xf32, #tpu.memory_space<hbm>>) target(%dma_start3A_49 : memref<625x128xf32, #tpu.memory_space<vmem_shared>>) target_semaphore(%arg12 : memref<!tpu.dma_semaphore, #tpu.memory_space<semaphore_mem>>)
    %dma_start3A_50 = arith.constant 0 : i32
    %dma_start3A_51 = tpu.memref_slice %arg3[%select_n3A, %dma_start3A_50] : memref<2500x128xi32, #tpu.memory_space<hbm>> -> memref<79x128xi32, #tpu.memory_space<hbm>>
    %dma_start3A_52 = arith.constant 0 : i32
    %dma_start3A_53 = tpu.memref_slice %arg3[%select_n3A, %dma_start3A_52] : memref<2500x128xi32, #tpu.memory_space<hbm>> -> memref<79x128xi32, #tpu.memory_space<hbm>>
    tpu.enqueue_dma source(%dma_start3A_53 : memref<79x128xi32, #tpu.memory_space<hbm>>) target(%arg8 : memref<79x128xi32, #tpu.memory_space<vmem>>) target_semaphore(%arg10 : memref<!tpu.dma_semaphore, #tpu.memory_space<semaphore_mem>>)
    %dma_wait3A = arith.constant 0 : i32
    %dma_wait3A_54 = tpu.memref_slice %arg9[%mul3A_48, %dma_wait3A] : memref<10000x128xf32, #tpu.memory_space<vmem_shared>> -> memref<625x128xf32, #tpu.memory_space<vmem_shared>>
    tpu.wait_dma2 semaphore(%arg12 : memref<!tpu.dma_semaphore, #tpu.memory_space<semaphore_mem>>) src(%arg4 : memref<625x128xf32, #tpu.memory_space<hbm>>) dst(%dma_wait3A_54 : memref<625x128xf32, #tpu.memory_space<vmem_shared>>)
    %dma_wait3A_55 = arith.constant 0 : i32
    %dma_wait3A_56 = arith.constant 0 : i32
    %dma_wait3A_57 = tpu.memref_slice %arg3[%dma_wait3A_55, %dma_wait3A_56] : memref<2500x128xi32, #tpu.memory_space<hbm>> -> memref<79x128xi32, #tpu.memory_space<hbm>>
    %dma_wait3A_58 = arith.constant 0 : i32
    %dma_wait3A_59 = arith.constant 0 : i32
    %dma_wait3A_60 = tpu.memref_slice %arg3[%dma_wait3A_58, %dma_wait3A_59] : memref<2500x128xi32, #tpu.memory_space<hbm>> -> memref<79x128xi32, #tpu.memory_space<hbm>>
    tpu.wait_dma2 semaphore(%arg10 : memref<!tpu.dma_semaphore, #tpu.memory_space<semaphore_mem>>) src(%dma_wait3A_60 : memref<79x128xi32, #tpu.memory_space<hbm>>) dst(%arg8 : memref<79x128xi32, #tpu.memory_space<vmem>>)
    %barrier3A = arith.constant 0 : index
    tpu.barrier barrier_id(%barrier3A)
    %lt3A = arith.cmpi slt, %select_n3A, %select_n3A_46 : i32
    %convert_element_type3A = arith.extui %lt3A : i1 to i32
    %cond3A = arith.constant 0 : i32
    %cond3A_61 = arith.cmpi ne, %convert_element_type3A, %cond3A : i32
    scf.if %cond3A_61 {
      %mul3A_106 = arith.constant 128 : i32
      %mul3A_107 = arith.muli %select_n3A, %mul3A_106 : i32
      %dma_start3A_108 = arith.constant 0 : i32
      %dma_start3A_109 = tpu.memref_slice %arg2[%mul3A_107, %dma_start3A_108] : memref<320000x128xf32, #tpu.memory_space<hbm>> -> memref<128x128xf32, #tpu.memory_space<hbm>>
      %dma_start3A_110 = arith.constant 0 : i32
      %dma_start3A_111 = tpu.memref_slice %arg2[%mul3A_107, %dma_start3A_110] : memref<320000x128xf32, #tpu.memory_space<hbm>> -> memref<128x128xf32, #tpu.memory_space<hbm>>
      tpu.enqueue_dma source(%dma_start3A_111 : memref<128x128xf32, #tpu.memory_space<hbm>>) target(%arg6 : memref<128x128xf32, #tpu.memory_space<vmem>>) target_semaphore(%arg10 : memref<!tpu.dma_semaphore, #tpu.memory_space<semaphore_mem>>)
    } else {
    }
    %sub3A_62 = arith.subi %select_n3A_46, %select_n3A : i32
    %add3A_63 = arith.constant 1 : i32
    %add3A_64 = arith.addi %sub3A_62, %add3A_63 : i32
    %jit3A_65 = arith.constant 2 : i32
    %div3A_66 = arith.divsi %add3A_64, %jit3A_65 : i32
    %sign3A_67 = arith.constant 0 : i32
    %sign3A_68 = arith.cmpi sgt, %add3A_64, %sign3A_67 : i32
    %sign3A_69 = arith.extui %sign3A_68 : i1 to i32
    %sign3A_70 = arith.constant 0 : i32
    %sign3A_71 = arith.cmpi slt, %add3A_64, %sign3A_70 : i32
    %sign3A_72 = arith.extui %sign3A_71 : i1 to i32
    %sign3A_73 = arith.subi %sign3A_69, %sign3A_72 : i32
    %sign3A_74 = arith.constant 0 : i32
    %sign3A_75 = arith.cmpi sgt, %jit3A_65, %sign3A_74 : i32
    %sign3A_76 = arith.extui %sign3A_75 : i1 to i32
    %sign3A_77 = arith.constant 0 : i32
    %sign3A_78 = arith.cmpi slt, %jit3A_65, %sign3A_77 : i32
    %sign3A_79 = arith.extui %sign3A_78 : i1 to i32
    %sign3A_80 = arith.subi %sign3A_76, %sign3A_79 : i32
    %ne3A_81 = arith.cmpi ne, %sign3A_73, %sign3A_80 : i32
    %rem3A_82 = arith.remsi %add3A_64, %jit3A_65 : i32
    %ne3A_83 = arith.constant 0 : i32
    %ne3A_84 = arith.cmpi ne, %rem3A_82, %ne3A_83 : i32
    %and3A_85 = arith.andi %ne3A_81, %ne3A_84 : i1
    %sub3A_86 = arith.constant 1 : i32
    %sub3A_87 = arith.subi %div3A_66, %sub3A_86 : i32
    %select_n3A_88 = arith.select %and3A_85, %sub3A_87, %div3A_66 : i32
    %while3A = arith.constant 0 : i32
    %while3A_89 = arith.constant 0 : i32
    %while3A_90 = arith.subi %select_n3A_88, %while3A_89 : i32
    %while3A_91 = arith.addi %while3A_89, %while3A_90 : i32
    %while3A_92 = arith.constant 1 : i32
    %while3A_93 = arith.divsi %while3A_90, %while3A_92 : i32
    %while3A_94 = arith.muli %while3A_93, %while3A_92 : i32
    %while3A_95 = arith.addi %while3A_89, %while3A_94 : i32
    %while3A_96 = arith.constant 1 : i32
    scf.for %while3A_106 = %while3A_89 to %while3A_95 step %while3A_96  : i32 {
      %mul3A_107 = arith.constant 2 : i32
      %mul3A_108 = arith.muli %mul3A_107, %while3A_106 : i32
      %add3A_109 = arith.addi %select_n3A, %mul3A_108 : i32
      %add3A_110 = arith.constant 1 : i32
      %add3A_111 = arith.addi %add3A_109, %add3A_110 : i32
      %dma_wait3A_112 = arith.constant 0 : i32
      %dma_wait3A_113 = arith.constant 0 : i32
      %dma_wait3A_114 = tpu.memref_slice %arg2[%dma_wait3A_112, %dma_wait3A_113] : memref<320000x128xf32, #tpu.memory_space<hbm>> -> memref<128x128xf32, #tpu.memory_space<hbm>>
      %dma_wait3A_115 = arith.constant 0 : i32
      %dma_wait3A_116 = arith.constant 0 : i32
      %dma_wait3A_117 = tpu.memref_slice %arg2[%dma_wait3A_115, %dma_wait3A_116] : memref<320000x128xf32, #tpu.memory_space<hbm>> -> memref<128x128xf32, #tpu.memory_space<hbm>>
      tpu.wait_dma2 semaphore(%arg10 : memref<!tpu.dma_semaphore, #tpu.memory_space<semaphore_mem>>) src(%dma_wait3A_117 : memref<128x128xf32, #tpu.memory_space<hbm>>) dst(%arg6 : memref<128x128xf32, #tpu.memory_space<vmem>>)
      %lt3A_118 = arith.cmpi slt, %add3A_111, %select_n3A_46 : i32
      %convert_element_type3A_119 = arith.extui %lt3A_118 : i1 to i32
      %cond3A_120 = arith.constant 0 : i32
      %cond3A_121 = arith.cmpi ne, %convert_element_type3A_119, %cond3A_120 : i32
      scf.if %cond3A_121 {
        %mul3A_127 = arith.constant 128 : i32
        %mul3A_128 = arith.muli %add3A_111, %mul3A_127 : i32
        %dma_start3A_129 = arith.constant 0 : i32
        %dma_start3A_130 = tpu.memref_slice %arg2[%mul3A_128, %dma_start3A_129] : memref<320000x128xf32, #tpu.memory_space<hbm>> -> memref<128x128xf32, #tpu.memory_space<hbm>>
        %dma_start3A_131 = arith.constant 0 : i32
        %dma_start3A_132 = tpu.memref_slice %arg2[%mul3A_128, %dma_start3A_131] : memref<320000x128xf32, #tpu.memory_space<hbm>> -> memref<128x128xf32, #tpu.memory_space<hbm>>
        tpu.enqueue_dma source(%dma_start3A_132 : memref<128x128xf32, #tpu.memory_space<hbm>>) target(%arg7 : memref<128x128xf32, #tpu.memory_space<vmem>>) target_semaphore(%arg11 : memref<!tpu.dma_semaphore, #tpu.memory_space<semaphore_mem>>)
      } else {
      }
      %sub3A_122 = arith.subi %add3A_109, %select_n3A : i32
      "tpu.region"() ({
        %run_scoped3A = tpu.sem_alloc : memref<!tpu.dma_semaphore, #tpu.memory_space<semaphore_mem>>
        %dma_start3A_127 = arith.constant 0 : i32
        %dma_start3A_128 = tpu.memref_slice %arg8[%sub3A_122, %dma_start3A_127] : memref<79x128xi32, #tpu.memory_space<vmem>> -> memref<1x128xi32, #tpu.memory_space<vmem>>
        %dma_start3A_129 = tpu.memref_squeeze %dma_start3A_128 : memref<1x128xi32, #tpu.memory_space<vmem>> -> memref<128xi32, #tpu.memory_space<vmem>>
        %dma_start3A_130 = arith.constant 0 : i32
        %dma_start3A_131 = arith.constant 0 : i32
        %dma_start3A_132 = tpu.memref_slice %arg9[%dma_start3A_130, %dma_start3A_131] : memref<10000x128xf32, #tpu.memory_space<vmem_shared>> -> memref<10000x128xf32, #tpu.memory_space<vmem_shared>>
        tpu.enqueue_indirect_dma source(%arg6 : memref<128x128xf32, #tpu.memory_space<vmem>>) target(%dma_start3A_132 : memref<10000x128xf32, #tpu.memory_space<vmem_shared>>) offsets(%dma_start3A_129 : memref<128xi32, #tpu.memory_space<vmem>>) semaphore(%run_scoped3A : memref<!tpu.dma_semaphore, #tpu.memory_space<semaphore_mem>>) {add = true}
        %dma_wait3A_133 = arith.constant 0 : i32
        %dma_wait3A_134 = tpu.memref_slice %arg8[%sub3A_122, %dma_wait3A_133] : memref<79x128xi32, #tpu.memory_space<vmem>> -> memref<1x128xi32, #tpu.memory_space<vmem>>
        %dma_wait3A_135 = tpu.memref_squeeze %dma_wait3A_134 : memref<1x128xi32, #tpu.memory_space<vmem>> -> memref<128xi32, #tpu.memory_space<vmem>>
        %dma_wait3A_136 = arith.constant 0 : i32
        %dma_wait3A_137 = arith.constant 0 : i32
        %dma_wait3A_138 = tpu.memref_slice %arg9[%dma_wait3A_136, %dma_wait3A_137] : memref<10000x128xf32, #tpu.memory_space<vmem_shared>> -> memref<10000x128xf32, #tpu.memory_space<vmem_shared>>
        tpu.wait_indirect_dma semaphore(%run_scoped3A : memref<!tpu.dma_semaphore, #tpu.memory_space<semaphore_mem>>) src(%arg6 : memref<128x128xf32, #tpu.memory_space<vmem>>) dst(%dma_wait3A_138 : memref<10000x128xf32, #tpu.memory_space<vmem_shared>>)
        tpu.yield
      }) : () -> ()
      %lt3A_123 = arith.cmpi slt, %add3A_111, %select_n3A_46 : i32
      %convert_element_type3A_124 = arith.extui %lt3A_123 : i1 to i32
      %cond3A_125 = arith.constant 0 : i32
      %cond3A_126 = arith.cmpi ne, %convert_element_type3A_124, %cond3A_125 : i32
      scf.if %cond3A_126 {
        %dma_wait3A_127 = arith.constant 0 : i32
        %dma_wait3A_128 = arith.constant 0 : i32
        %dma_wait3A_129 = tpu.memref_slice %arg2[%dma_wait3A_127, %dma_wait3A_128] : memref<320000x128xf32, #tpu.memory_space<hbm>> -> memref<128x128xf32, #tpu.memory_space<hbm>>
        %dma_wait3A_130 = arith.constant 0 : i32
        %dma_wait3A_131 = arith.constant 0 : i32
        %dma_wait3A_132 = tpu.memref_slice %arg2[%dma_wait3A_130, %dma_wait3A_131] : memref<320000x128xf32, #tpu.memory_space<hbm>> -> memref<128x128xf32, #tpu.memory_space<hbm>>
        tpu.wait_dma2 semaphore(%arg11 : memref<!tpu.dma_semaphore, #tpu.memory_space<semaphore_mem>>) src(%dma_wait3A_132 : memref<128x128xf32, #tpu.memory_space<hbm>>) dst(%arg7 : memref<128x128xf32, #tpu.memory_space<vmem>>)
        %add3A_133 = arith.constant 1 : i32
        %add3A_134 = arith.addi %add3A_111, %add3A_133 : i32
        %lt3A_135 = arith.cmpi slt, %add3A_134, %select_n3A_46 : i32
        %convert_element_type3A_136 = arith.extui %lt3A_135 : i1 to i32
        %cond3A_137 = arith.constant 0 : i32
        %cond3A_138 = arith.cmpi ne, %convert_element_type3A_136, %cond3A_137 : i32
        scf.if %cond3A_138 {
          %add3A_140 = arith.constant 1 : i32
          %add3A_141 = arith.addi %add3A_111, %add3A_140 : i32
          %mul3A_142 = arith.constant 128 : i32
          %mul3A_143 = arith.muli %add3A_141, %mul3A_142 : i32
          %dma_start3A_144 = arith.constant 0 : i32
          %dma_start3A_145 = tpu.memref_slice %arg2[%mul3A_143, %dma_start3A_144] : memref<320000x128xf32, #tpu.memory_space<hbm>> -> memref<128x128xf32, #tpu.memory_space<hbm>>
          %dma_start3A_146 = arith.constant 0 : i32
          %dma_start3A_147 = tpu.memref_slice %arg2[%mul3A_143, %dma_start3A_146] : memref<320000x128xf32, #tpu.memory_space<hbm>> -> memref<128x128xf32, #tpu.memory_space<hbm>>
          tpu.enqueue_dma source(%dma_start3A_147 : memref<128x128xf32, #tpu.memory_space<hbm>>) target(%arg6 : memref<128x128xf32, #tpu.memory_space<vmem>>) target_semaphore(%arg10 : memref<!tpu.dma_semaphore, #tpu.memory_space<semaphore_mem>>)
        } else {
        }
        %sub3A_139 = arith.subi %add3A_111, %select_n3A : i32
        "tpu.region"() ({
          %run_scoped3A = tpu.sem_alloc : memref<!tpu.dma_semaphore, #tpu.memory_space<semaphore_mem>>
          %dma_start3A_140 = arith.constant 0 : i32
          %dma_start3A_141 = tpu.memref_slice %arg8[%sub3A_139, %dma_start3A_140] : memref<79x128xi32, #tpu.memory_space<vmem>> -> memref<1x128xi32, #tpu.memory_space<vmem>>
          %dma_start3A_142 = tpu.memref_squeeze %dma_start3A_141 : memref<1x128xi32, #tpu.memory_space<vmem>> -> memref<128xi32, #tpu.memory_space<vmem>>
          %dma_start3A_143 = arith.constant 0 : i32
          %dma_start3A_144 = arith.constant 0 : i32
          %dma_start3A_145 = tpu.memref_slice %arg9[%dma_start3A_143, %dma_start3A_144] : memref<10000x128xf32, #tpu.memory_space<vmem_shared>> -> memref<10000x128xf32, #tpu.memory_space<vmem_shared>>
          tpu.enqueue_indirect_dma source(%arg7 : memref<128x128xf32, #tpu.memory_space<vmem>>) target(%dma_start3A_145 : memref<10000x128xf32, #tpu.memory_space<vmem_shared>>) offsets(%dma_start3A_142 : memref<128xi32, #tpu.memory_space<vmem>>) semaphore(%run_scoped3A : memref<!tpu.dma_semaphore, #tpu.memory_space<semaphore_mem>>) {add = true}
          %dma_wait3A_146 = arith.constant 0 : i32
          %dma_wait3A_147 = tpu.memref_slice %arg8[%sub3A_139, %dma_wait3A_146] : memref<79x128xi32, #tpu.memory_space<vmem>> -> memref<1x128xi32, #tpu.memory_space<vmem>>
          %dma_wait3A_148 = tpu.memref_squeeze %dma_wait3A_147 : memref<1x128xi32, #tpu.memory_space<vmem>> -> memref<128xi32, #tpu.memory_space<vmem>>
          %dma_wait3A_149 = arith.constant 0 : i32
          %dma_wait3A_150 = arith.constant 0 : i32
          %dma_wait3A_151 = tpu.memref_slice %arg9[%dma_wait3A_149, %dma_wait3A_150] : memref<10000x128xf32, #tpu.memory_space<vmem_shared>> -> memref<10000x128xf32, #tpu.memory_space<vmem_shared>>
          tpu.wait_indirect_dma semaphore(%run_scoped3A : memref<!tpu.dma_semaphore, #tpu.memory_space<semaphore_mem>>) src(%arg7 : memref<128x128xf32, #tpu.memory_space<vmem>>) dst(%dma_wait3A_151 : memref<10000x128xf32, #tpu.memory_space<vmem_shared>>)
          tpu.yield
        }) : () -> ()
      } else {
      }
    }
    %while3A_97 = arith.constant 1 : i32
    scf.for %while3A_106 = %while3A_95 to %while3A_91 step %while3A_97  : i32 {
      %mul3A_107 = arith.constant 2 : i32
      %mul3A_108 = arith.muli %mul3A_107, %while3A_106 : i32
      %add3A_109 = arith.addi %select_n3A, %mul3A_108 : i32
      %add3A_110 = arith.constant 1 : i32
      %add3A_111 = arith.addi %add3A_109, %add3A_110 : i32
      %dma_wait3A_112 = arith.constant 0 : i32
      %dma_wait3A_113 = arith.constant 0 : i32
      %dma_wait3A_114 = tpu.memref_slice %arg2[%dma_wait3A_112, %dma_wait3A_113] : memref<320000x128xf32, #tpu.memory_space<hbm>> -> memref<128x128xf32, #tpu.memory_space<hbm>>
      %dma_wait3A_115 = arith.constant 0 : i32
      %dma_wait3A_116 = arith.constant 0 : i32
      %dma_wait3A_117 = tpu.memref_slice %arg2[%dma_wait3A_115, %dma_wait3A_116] : memref<320000x128xf32, #tpu.memory_space<hbm>> -> memref<128x128xf32, #tpu.memory_space<hbm>>
      tpu.wait_dma2 semaphore(%arg10 : memref<!tpu.dma_semaphore, #tpu.memory_space<semaphore_mem>>) src(%dma_wait3A_117 : memref<128x128xf32, #tpu.memory_space<hbm>>) dst(%arg6 : memref<128x128xf32, #tpu.memory_space<vmem>>)
      %lt3A_118 = arith.cmpi slt, %add3A_111, %select_n3A_46 : i32
      %convert_element_type3A_119 = arith.extui %lt3A_118 : i1 to i32
      %cond3A_120 = arith.constant 0 : i32
      %cond3A_121 = arith.cmpi ne, %convert_element_type3A_119, %cond3A_120 : i32
      scf.if %cond3A_121 {
        %mul3A_127 = arith.constant 128 : i32
        %mul3A_128 = arith.muli %add3A_111, %mul3A_127 : i32
        %dma_start3A_129 = arith.constant 0 : i32
        %dma_start3A_130 = tpu.memref_slice %arg2[%mul3A_128, %dma_start3A_129] : memref<320000x128xf32, #tpu.memory_space<hbm>> -> memref<128x128xf32, #tpu.memory_space<hbm>>
        %dma_start3A_131 = arith.constant 0 : i32
        %dma_start3A_132 = tpu.memref_slice %arg2[%mul3A_128, %dma_start3A_131] : memref<320000x128xf32, #tpu.memory_space<hbm>> -> memref<128x128xf32, #tpu.memory_space<hbm>>
        tpu.enqueue_dma source(%dma_start3A_132 : memref<128x128xf32, #tpu.memory_space<hbm>>) target(%arg7 : memref<128x128xf32, #tpu.memory_space<vmem>>) target_semaphore(%arg11 : memref<!tpu.dma_semaphore, #tpu.memory_space<semaphore_mem>>)
      } else {
      }
      %sub3A_122 = arith.subi %add3A_109, %select_n3A : i32
      "tpu.region"() ({
        %run_scoped3A = tpu.sem_alloc : memref<!tpu.dma_semaphore, #tpu.memory_space<semaphore_mem>>
        %dma_start3A_127 = arith.constant 0 : i32
        %dma_start3A_128 = tpu.memref_slice %arg8[%sub3A_122, %dma_start3A_127] : memref<79x128xi32, #tpu.memory_space<vmem>> -> memref<1x128xi32, #tpu.memory_space<vmem>>
        %dma_start3A_129 = tpu.memref_squeeze %dma_start3A_128 : memref<1x128xi32, #tpu.memory_space<vmem>> -> memref<128xi32, #tpu.memory_space<vmem>>
        %dma_start3A_130 = arith.constant 0 : i32
        %dma_start3A_131 = arith.constant 0 : i32
        %dma_start3A_132 = tpu.memref_slice %arg9[%dma_start3A_130, %dma_start3A_131] : memref<10000x128xf32, #tpu.memory_space<vmem_shared>> -> memref<10000x128xf32, #tpu.memory_space<vmem_shared>>
        tpu.enqueue_indirect_dma source(%arg6 : memref<128x128xf32, #tpu.memory_space<vmem>>) target(%dma_start3A_132 : memref<10000x128xf32, #tpu.memory_space<vmem_shared>>) offsets(%dma_start3A_129 : memref<128xi32, #tpu.memory_space<vmem>>) semaphore(%run_scoped3A : memref<!tpu.dma_semaphore, #tpu.memory_space<semaphore_mem>>) {add = true}
        %dma_wait3A_133 = arith.constant 0 : i32
        %dma_wait3A_134 = tpu.memref_slice %arg8[%sub3A_122, %dma_wait3A_133] : memref<79x128xi32, #tpu.memory_space<vmem>> -> memref<1x128xi32, #tpu.memory_space<vmem>>
        %dma_wait3A_135 = tpu.memref_squeeze %dma_wait3A_134 : memref<1x128xi32, #tpu.memory_space<vmem>> -> memref<128xi32, #tpu.memory_space<vmem>>
        %dma_wait3A_136 = arith.constant 0 : i32
        %dma_wait3A_137 = arith.constant 0 : i32
        %dma_wait3A_138 = tpu.memref_slice %arg9[%dma_wait3A_136, %dma_wait3A_137] : memref<10000x128xf32, #tpu.memory_space<vmem_shared>> -> memref<10000x128xf32, #tpu.memory_space<vmem_shared>>
        tpu.wait_indirect_dma semaphore(%run_scoped3A : memref<!tpu.dma_semaphore, #tpu.memory_space<semaphore_mem>>) src(%arg6 : memref<128x128xf32, #tpu.memory_space<vmem>>) dst(%dma_wait3A_138 : memref<10000x128xf32, #tpu.memory_space<vmem_shared>>)
        tpu.yield
      }) : () -> ()
      %lt3A_123 = arith.cmpi slt, %add3A_111, %select_n3A_46 : i32
      %convert_element_type3A_124 = arith.extui %lt3A_123 : i1 to i32
      %cond3A_125 = arith.constant 0 : i32
      %cond3A_126 = arith.cmpi ne, %convert_element_type3A_124, %cond3A_125 : i32
      scf.if %cond3A_126 {
        %dma_wait3A_127 = arith.constant 0 : i32
        %dma_wait3A_128 = arith.constant 0 : i32
        %dma_wait3A_129 = tpu.memref_slice %arg2[%dma_wait3A_127, %dma_wait3A_128] : memref<320000x128xf32, #tpu.memory_space<hbm>> -> memref<128x128xf32, #tpu.memory_space<hbm>>
        %dma_wait3A_130 = arith.constant 0 : i32
        %dma_wait3A_131 = arith.constant 0 : i32
        %dma_wait3A_132 = tpu.memref_slice %arg2[%dma_wait3A_130, %dma_wait3A_131] : memref<320000x128xf32, #tpu.memory_space<hbm>> -> memref<128x128xf32, #tpu.memory_space<hbm>>
        tpu.wait_dma2 semaphore(%arg11 : memref<!tpu.dma_semaphore, #tpu.memory_space<semaphore_mem>>) src(%dma_wait3A_132 : memref<128x128xf32, #tpu.memory_space<hbm>>) dst(%arg7 : memref<128x128xf32, #tpu.memory_space<vmem>>)
        %add3A_133 = arith.constant 1 : i32
        %add3A_134 = arith.addi %add3A_111, %add3A_133 : i32
        %lt3A_135 = arith.cmpi slt, %add3A_134, %select_n3A_46 : i32
        %convert_element_type3A_136 = arith.extui %lt3A_135 : i1 to i32
        %cond3A_137 = arith.constant 0 : i32
        %cond3A_138 = arith.cmpi ne, %convert_element_type3A_136, %cond3A_137 : i32
        scf.if %cond3A_138 {
          %add3A_140 = arith.constant 1 : i32
          %add3A_141 = arith.addi %add3A_111, %add3A_140 : i32
          %mul3A_142 = arith.constant 128 : i32
          %mul3A_143 = arith.muli %add3A_141, %mul3A_142 : i32
          %dma_start3A_144 = arith.constant 0 : i32
          %dma_start3A_145 = tpu.memref_slice %arg2[%mul3A_143, %dma_start3A_144] : memref<320000x128xf32, #tpu.memory_space<hbm>> -> memref<128x128xf32, #tpu.memory_space<hbm>>
          %dma_start3A_146 = arith.constant 0 : i32
          %dma_start3A_147 = tpu.memref_slice %arg2[%mul3A_143, %dma_start3A_146] : memref<320000x128xf32, #tpu.memory_space<hbm>> -> memref<128x128xf32, #tpu.memory_space<hbm>>
          tpu.enqueue_dma source(%dma_start3A_147 : memref<128x128xf32, #tpu.memory_space<hbm>>) target(%arg6 : memref<128x128xf32, #tpu.memory_space<vmem>>) target_semaphore(%arg10 : memref<!tpu.dma_semaphore, #tpu.memory_space<semaphore_mem>>)
        } else {
        }
        %sub3A_139 = arith.subi %add3A_111, %select_n3A : i32
        "tpu.region"() ({
          %run_scoped3A = tpu.sem_alloc : memref<!tpu.dma_semaphore, #tpu.memory_space<semaphore_mem>>
          %dma_start3A_140 = arith.constant 0 : i32
          %dma_start3A_141 = tpu.memref_slice %arg8[%sub3A_139, %dma_start3A_140] : memref<79x128xi32, #tpu.memory_space<vmem>> -> memref<1x128xi32, #tpu.memory_space<vmem>>
          %dma_start3A_142 = tpu.memref_squeeze %dma_start3A_141 : memref<1x128xi32, #tpu.memory_space<vmem>> -> memref<128xi32, #tpu.memory_space<vmem>>
          %dma_start3A_143 = arith.constant 0 : i32
          %dma_start3A_144 = arith.constant 0 : i32
          %dma_start3A_145 = tpu.memref_slice %arg9[%dma_start3A_143, %dma_start3A_144] : memref<10000x128xf32, #tpu.memory_space<vmem_shared>> -> memref<10000x128xf32, #tpu.memory_space<vmem_shared>>
          tpu.enqueue_indirect_dma source(%arg7 : memref<128x128xf32, #tpu.memory_space<vmem>>) target(%dma_start3A_145 : memref<10000x128xf32, #tpu.memory_space<vmem_shared>>) offsets(%dma_start3A_142 : memref<128xi32, #tpu.memory_space<vmem>>) semaphore(%run_scoped3A : memref<!tpu.dma_semaphore, #tpu.memory_space<semaphore_mem>>) {add = true}
          %dma_wait3A_146 = arith.constant 0 : i32
          %dma_wait3A_147 = tpu.memref_slice %arg8[%sub3A_139, %dma_wait3A_146] : memref<79x128xi32, #tpu.memory_space<vmem>> -> memref<1x128xi32, #tpu.memory_space<vmem>>
          %dma_wait3A_148 = tpu.memref_squeeze %dma_wait3A_147 : memref<1x128xi32, #tpu.memory_space<vmem>> -> memref<128xi32, #tpu.memory_space<vmem>>
          %dma_wait3A_149 = arith.constant 0 : i32
          %dma_wait3A_150 = arith.constant 0 : i32
          %dma_wait3A_151 = tpu.memref_slice %arg9[%dma_wait3A_149, %dma_wait3A_150] : memref<10000x128xf32, #tpu.memory_space<vmem_shared>> -> memref<10000x128xf32, #tpu.memory_space<vmem_shared>>
          tpu.wait_indirect_dma semaphore(%run_scoped3A : memref<!tpu.dma_semaphore, #tpu.memory_space<semaphore_mem>>) src(%arg7 : memref<128x128xf32, #tpu.memory_space<vmem>>) dst(%dma_wait3A_151 : memref<10000x128xf32, #tpu.memory_space<vmem_shared>>)
          tpu.yield
        }) : () -> ()
      } else {
      }
    }
    %barrier3A_98 = arith.constant 0 : index
    tpu.barrier barrier_id(%barrier3A_98)
    %mul3A_99 = arith.constant 625 : i32
    %mul3A_100 = arith.muli %arg1, %mul3A_99 : i32
    %mul3A_101 = arith.constant 10000 : i32
    %mul3A_102 = arith.muli %arg0, %mul3A_101 : i32
    %mul3A_103 = arith.constant 625 : i32
    %mul3A_104 = arith.muli %arg1, %mul3A_103 : i32
    %add3A_105 = arith.addi %mul3A_102, %mul3A_104 : i32
    "tpu.region"() ({
      %run_scoped3A = tpu.sem_alloc : memref<!tpu.dma_semaphore, #tpu.memory_space<semaphore_mem>>
      %dma_start3A_106 = arith.constant 0 : i32
      %dma_start3A_107 = tpu.memref_slice %arg5[%add3A_105, %dma_start3A_106] : memref<20000x128xf32, #tpu.memory_space<hbm>> -> memref<625x128xf32, #tpu.memory_space<hbm>>
      %dma_start3A_108 = arith.constant 0 : i32
      %dma_start3A_109 = tpu.memref_slice %arg9[%mul3A_100, %dma_start3A_108] : memref<10000x128xf32, #tpu.memory_space<vmem_shared>> -> memref<625x128xf32, #tpu.memory_space<vmem_shared>>
      tpu.enqueue_dma source(%dma_start3A_109 : memref<625x128xf32, #tpu.memory_space<vmem_shared>>) target(%dma_start3A_107 : memref<625x128xf32, #tpu.memory_space<hbm>>) target_semaphore(%run_scoped3A : memref<!tpu.dma_semaphore, #tpu.memory_space<semaphore_mem>>)
      %dma_wait3A_110 = arith.constant 0 : i32
      %dma_wait3A_111 = tpu.memref_slice %arg5[%add3A_105, %dma_wait3A_110] : memref<20000x128xf32, #tpu.memory_space<hbm>> -> memref<625x128xf32, #tpu.memory_space<hbm>>
      %dma_wait3A_112 = arith.constant 0 : i32
      %dma_wait3A_113 = tpu.memref_slice %arg9[%mul3A_100, %dma_wait3A_112] : memref<10000x128xf32, #tpu.memory_space<vmem_shared>> -> memref<625x128xf32, #tpu.memory_space<vmem_shared>>
      tpu.wait_dma2 semaphore(%run_scoped3A : memref<!tpu.dma_semaphore, #tpu.memory_space<semaphore_mem>>) src(%dma_wait3A_113 : memref<625x128xf32, #tpu.memory_space<vmem_shared>>) dst(%dma_wait3A_111 : memref<625x128xf32, #tpu.memory_space<hbm>>)
      tpu.yield
    }) : () -> ()
    return
  }
}

module attributes {stable_mosaic.version = 14 : i64} {
  func.func @_edge_body(%arg0: i32, %arg1: memref<6400x16xf32, #tpu.memory_space<vmem>>, %arg2: memref<6400x128xf32, #tpu.memory_space<vmem>>, %arg3: memref<16x128xf32, #tpu.memory_space<vmem>>, %arg4: memref<6400x128xf32, #tpu.memory_space<vmem>>) attributes {dimension_semantics = [#tpu.dimension_semantics<arbitrary>], iteration_bounds = array<i64: 50>, scalar_prefetch = 0 : i64, scratch_operands = 0 : i64, tpu.core_type = #tpu.core_type<tc>, window_params = [{transform_indices = @transform_0, window_bounds = array<i64: 6400, 16>}, {transform_indices = @transform_1, window_bounds = array<i64: 6400, 128>}, {pipeline_mode = #tpu.pipeline_mode<synchronous>, transform_indices = @transform_2, window_bounds = array<i64: 16, 128>}, {transform_indices = @transform_3, window_bounds = array<i64: 6400, 128>}]} {
    %get3A = arith.constant 0 : index
    %get3A_0 = arith.constant 0 : index
    %get3A_1 = vector.load %arg1[%get3A, %get3A_0] : memref<6400x16xf32, #tpu.memory_space<vmem>>, vector<6400x16xf32>
    %get3A_2 = arith.constant 0 : index
    %get3A_3 = arith.constant 0 : index
    %get3A_4 = vector.load %arg3[%get3A_2, %get3A_3] : memref<16x128xf32, #tpu.memory_space<vmem>>, vector<16x128xf32>
    %dot_general3A = arith.constant dense<0.000000e+00> : vector<6400x128xf32>
    %dot_general3A_5 = tpu.matmul %get3A_1, %get3A_4, %dot_general3A {dimension_numbers = #tpu.dot_dimension_numbers<[1], [0], [0], [1], [0, 0, 1, 1], [], []>, transpose_lhs_hint = false} : vector<6400x16xf32>, vector<16x128xf32>, vector<6400x128xf32> -> vector<6400x128xf32>
    %get3A_6 = arith.constant 0 : index
    %get3A_7 = arith.constant 0 : index
    %get3A_8 = vector.load %arg2[%get3A_6, %get3A_7] : memref<6400x128xf32, #tpu.memory_space<vmem>>, vector<6400x128xf32>
    %mul3A = arith.mulf %dot_general3A_5, %get3A_8 : vector<6400x128xf32>
    %swap3A = arith.constant 0 : index
    %swap3A_9 = arith.constant 0 : index
    %swap3A_10 = vector.load %arg4[%swap3A, %swap3A_9] : memref<6400x128xf32, #tpu.memory_space<vmem>>, vector<6400x128xf32>
    tpu.vector_store %arg4[%swap3A, %swap3A_9], %mul3A {strides = array<i32>} : memref<6400x128xf32, #tpu.memory_space<vmem>>, vector<6400x128xf32>,
    return
  }
  func.func @transform_0(%arg0: i32) -> (i32, i32) {
    %c0_i32 = arith.constant 0 : i32
    %c0_i32_0 = arith.constant 0 : i32
    return %arg0, %c0_i32 : i32, i32
  }
  func.func @transform_1(%arg0: i32) -> (i32, i32) {
    %c0_i32 = arith.constant 0 : i32
    %c0_i32_0 = arith.constant 0 : i32
    return %arg0, %c0_i32 : i32, i32
  }
  func.func @transform_2(%arg0: i32) -> (i32, i32) {
    %c0_i32 = arith.constant 0 : i32
    %c0_i32_0 = arith.constant 0 : i32
    %c0_i32_1 = arith.constant 0 : i32
    return %c0_i32, %c0_i32_0 : i32, i32
  }
  func.func @transform_3(%arg0: i32) -> (i32, i32) {
    %c0_i32 = arith.constant 0 : i32
    %c0_i32_0 = arith.constant 0 : i32
    return %arg0, %c0_i32 : i32, i32
  }
}

module attributes {stable_mosaic.version = 14 : i64} {
  func.func @_mlp_body(%arg0: i32, %arg1: memref<2000x128xf32, #tpu.memory_space<vmem>>, %arg2: memref<2000x128xf32, #tpu.memory_space<vmem>>, %arg3: memref<128x256xf32, #tpu.memory_space<vmem>>, %arg4: memref<256x256xf32, #tpu.memory_space<vmem>>, %arg5: memref<1x256xf32, #tpu.memory_space<vmem>>, %arg6: memref<256x128xf32, #tpu.memory_space<vmem>>, %arg7: memref<2000x128xf32, #tpu.memory_space<vmem>>) attributes {dimension_semantics = [#tpu.dimension_semantics<arbitrary>], iteration_bounds = array<i64: 5>, scalar_prefetch = 0 : i64, scratch_operands = 0 : i64, tpu.core_type = #tpu.core_type<tc>, window_params = [{transform_indices = @transform_0, window_bounds = array<i64: 2000, 128>}, {transform_indices = @transform_1, window_bounds = array<i64: 2000, 128>}, {pipeline_mode = #tpu.pipeline_mode<synchronous>, transform_indices = @transform_2, window_bounds = array<i64: 128, 256>}, {pipeline_mode = #tpu.pipeline_mode<synchronous>, transform_indices = @transform_3, window_bounds = array<i64: 256, 256>}, {pipeline_mode = #tpu.pipeline_mode<synchronous>, transform_indices = @transform_4, window_bounds = array<i64: 1, 256>}, {pipeline_mode = #tpu.pipeline_mode<synchronous>, transform_indices = @transform_5, window_bounds = array<i64: 256, 128>}, {transform_indices = @transform_6, window_bounds = array<i64: 2000, 128>}]} {
    %get3A = arith.constant 0 : index
    %get3A_0 = arith.constant 0 : index
    %get3A_1 = vector.load %arg1[%get3A, %get3A_0] : memref<2000x128xf32, #tpu.memory_space<vmem>>, vector<2000x128xf32>
    %get3A_2 = arith.constant 0 : index
    %get3A_3 = arith.constant 0 : index
    %get3A_4 = vector.load %arg2[%get3A_2, %get3A_3] : memref<2000x128xf32, #tpu.memory_space<vmem>>, vector<2000x128xf32>
    %add3A = arith.addf %get3A_1, %get3A_4 : vector<2000x128xf32>
    %get3A_5 = arith.constant 0 : index
    %get3A_6 = arith.constant 0 : index
    %get3A_7 = vector.load %arg3[%get3A_5, %get3A_6] : memref<128x256xf32, #tpu.memory_space<vmem>>, vector<128x256xf32>
    %dot_general3A = arith.constant dense<0.000000e+00> : vector<2000x256xf32>
    %dot_general3A_8 = tpu.matmul %add3A, %get3A_7, %dot_general3A {dimension_numbers = #tpu.dot_dimension_numbers<[1], [0], [0], [1], [0, 0, 1, 1], [], []>, transpose_lhs_hint = false} : vector<2000x128xf32>, vector<128x256xf32>, vector<2000x256xf32> -> vector<2000x256xf32>
    %logistic3A = arith.negf %dot_general3A_8 : vector<2000x256xf32>
    %logistic3A_9 = math.exp %logistic3A : vector<2000x256xf32>
    %logistic3A_10 = arith.constant 1.000000e+00 : f32
    %logistic3A_11 = vector.broadcast %logistic3A_10 : f32 to vector<2000x256xf32>
    %logistic3A_12 = arith.addf %logistic3A_11, %logistic3A_9 : vector<2000x256xf32>
    %logistic3A_13 = arith.divf %logistic3A_11, %logistic3A_12 : vector<2000x256xf32>
    %mul3A = arith.mulf %dot_general3A_8, %logistic3A_13 : vector<2000x256xf32>
    %get3A_14 = arith.constant 0 : index
    %get3A_15 = arith.constant 0 : index
    %get3A_16 = vector.load %arg4[%get3A_14, %get3A_15] : memref<256x256xf32, #tpu.memory_space<vmem>>, vector<256x256xf32>
    %dot_general3A_17 = arith.constant dense<0.000000e+00> : vector<2000x256xf32>
    %dot_general3A_18 = tpu.matmul %mul3A, %get3A_16, %dot_general3A_17 {dimension_numbers = #tpu.dot_dimension_numbers<[1], [0], [0], [1], [0, 0, 1, 1], [], []>, transpose_lhs_hint = false} : vector<2000x256xf32>, vector<256x256xf32>, vector<2000x256xf32> -> vector<2000x256xf32>
    %get3A_19 = arith.constant 0 : index
    %get3A_20 = arith.constant 0 : index
    %get3A_21 = vector.load %arg5[%get3A_19, %get3A_20] : memref<1x256xf32, #tpu.memory_space<vmem>>, vector<1x256xf32>
    %add3A_22 = vector.broadcast %get3A_21 : vector<1x256xf32> to vector<2000x256xf32>
    %add3A_23 = arith.addf %dot_general3A_18, %add3A_22 : vector<2000x256xf32>
    %logistic3A_24 = arith.negf %add3A_23 : vector<2000x256xf32>
    %logistic3A_25 = math.exp %logistic3A_24 : vector<2000x256xf32>
    %logistic3A_26 = arith.constant 1.000000e+00 : f32
    %logistic3A_27 = vector.broadcast %logistic3A_26 : f32 to vector<2000x256xf32>
    %logistic3A_28 = arith.addf %logistic3A_27, %logistic3A_25 : vector<2000x256xf32>
    %logistic3A_29 = arith.divf %logistic3A_27, %logistic3A_28 : vector<2000x256xf32>
    %mul3A_30 = arith.mulf %add3A_23, %logistic3A_29 : vector<2000x256xf32>
    %get3A_31 = arith.constant 0 : index
    %get3A_32 = arith.constant 0 : index
    %get3A_33 = vector.load %arg6[%get3A_31, %get3A_32] : memref<256x128xf32, #tpu.memory_space<vmem>>, vector<256x128xf32>
    %dot_general3A_34 = arith.constant dense<0.000000e+00> : vector<2000x128xf32>
    %dot_general3A_35 = tpu.matmul %mul3A_30, %get3A_33, %dot_general3A_34 {dimension_numbers = #tpu.dot_dimension_numbers<[1], [0], [0], [1], [0, 0, 1, 1], [], []>, transpose_lhs_hint = false} : vector<2000x256xf32>, vector<256x128xf32>, vector<2000x128xf32> -> vector<2000x128xf32>
    %swap3A = arith.constant 0 : index
    %swap3A_36 = arith.constant 0 : index
    %swap3A_37 = vector.load %arg7[%swap3A, %swap3A_36] : memref<2000x128xf32, #tpu.memory_space<vmem>>, vector<2000x128xf32>
    tpu.vector_store %arg7[%swap3A, %swap3A_36], %dot_general3A_35 {strides = array<i32>} : memref<2000x128xf32, #tpu.memory_space<vmem>>, vector<2000x128xf32>,
    return
  }
  func.func @transform_0(%arg0: i32) -> (i32, i32) {
    %c0_i32 = arith.constant 0 : i32
    %c0_i32_0 = arith.constant 0 : i32
    return %arg0, %c0_i32 : i32, i32
  }
  func.func @transform_1(%arg0: i32) -> (i32, i32) {
    %c0_i32 = arith.constant 0 : i32
    %c0_i32_0 = arith.constant 0 : i32
    return %arg0, %c0_i32 : i32, i32
  }
  func.func @transform_2(%arg0: i32) -> (i32, i32) {
    %c0_i32 = arith.constant 0 : i32
    %c0_i32_0 = arith.constant 0 : i32
    %c0_i32_1 = arith.constant 0 : i32
    return %c0_i32, %c0_i32_0 : i32, i32
  }
  func.func @transform_3(%arg0: i32) -> (i32, i32) {
    %c0_i32 = arith.constant 0 : i32
    %c0_i32_0 = arith.constant 0 : i32
    %c0_i32_1 = arith.constant 0 : i32
    return %c0_i32, %c0_i32_0 : i32, i32
  }
  func.func @transform_4(%arg0: i32) -> (i32, i32) {
    %c0_i32 = arith.constant 0 : i32
    %c0_i32_0 = arith.constant 0 : i32
    %c0_i32_1 = arith.constant 0 : i32
    return %c0_i32, %c0_i32_0 : i32, i32
  }
  func.func @transform_5(%arg0: i32) -> (i32, i32) {
    %c0_i32 = arith.constant 0 : i32
    %c0_i32_0 = arith.constant 0 : i32
    %c0_i32_1 = arith.constant 0 : i32
    return %c0_i32, %c0_i32_0 : i32, i32
  }
  func.func @transform_6(%arg0: i32) -> (i32, i32) {
    %c0_i32 = arith.constant 0 : i32
    %c0_i32_0 = arith.constant 0 : i32
    return %arg0, %c0_i32 : i32, i32
  }
}

</mosaic_0001>

<sc_bundles>
// kernel: kernel.5.cloned.1.call-start
scs
__scs_entry_jumppad:
0x0: {  	(pc) =	sbr.rel $0x88, $3  }
0x1: {  	(tag) =	ssettag $0x0;
	lr =	simm.s32 $0x1  }
0x2: {  	[smem:$0x3F98] =	sst lr;
	_ =	strace $0xD0000000  }
0x3: {  	_ = 	snop  }
0x4: {  	_ = 	snop  }
0x5: {  	_ = 	snop  }
0x6: {  	_ = 	snop  }
0x7: {  	_ = 	snop  }
__scs_overlays_trampoline_lowered:
0x8: {  	[smem:$0x3FA7] =	sst s0  }
0x9: {  	[smem:$0x3FA8] =	sst s1  }
0xa: {  	[smem:$0x3FA9] =	sst s2  }
0xb: {  	[smem:$0x3FAA] =	sst s3  }
0xc: {  	[smem:$0x3FAB] =	sst s4  }
0xd: {  	[smem:$0x3FAC] =	sst s5  }
0xe: {  	[smem:$0x3FAD] =	sst s6  }
0xf: {  	[smem:$0x3FAE] =	sst s7  }
0x10: {  	[smem:$0x3FAF] =	sst s8  }
0x11: {  	[smem:$0x3FB0] =	sst s9;
	s0 =	simm.s32 @!p0 $0x0  }
0x12: {  	s1 =	sld [smem:$0x3F96];
	s0 =	simm.s32 @p0 $0x1  }
0x13: {  	[smem:$0x3FB1] =	sst s0;
	s0 =	simm.s32 @!p1 $0x0  }
0x14: {  	s2 =	sld [smem:$0x3F95];
	s0 =	simm.s32 @p1 $0x1  }
0x15: {  	[smem:$0x3FB2] =	sst s0;
	s0 =	simm.s32 @!p2 $0x0  }
0x16: {  	s3 =	sld [smem:$0x3FDB];
	s0 =	simm.s32 @p2 $0x1  }
0x17: {  	s4 =	simm.s32 $0x1BF5;
	[smem:$0x3FB4] =	sst s0  }
0x18: {  	s0 =	sld [smem:$0x3F97];
	_ =	swait.ge [sflag:s4], $0x0  }
0x19: {  	s7 =	sld [smem:$0x3F98]  }
0x1a: {  	s8 =	sadd.s32 $0xFFFFE003, lr  }
0x1b: {  	s9 =	sadd.s32 $0xFFFFFEF7, lr;
	s5 =	simm.s32 $0xFFFFFFFF;
	p2 =	slt.u32 s8, $0xFFFFF086  }
0x1c: {  	p1 =	slt.u32 s9, $0xF7A;
	s5 =	simm.s32 @!p2 $0x0  }
0x1d: {  	s5 =	simm.s32 @p1 $0x1;
	p0 =	seq.s32 s7, s2  }
0x1e: {  	s7 =	smul.u32 @!p0 $0xF7A, s2;
	p2 =	seq.s32 @!p0 s5, $0x0  }
0x1f: {  	s9 =	smul.u32 $0xF7A, s1;
	s8 =	simm.s32 @!p0 $0x1BF5;
	p2 =	por !p2, p0  }
0x20: {  	[sflag:s8] =	ssyncset.s32 @!p0 $0xFFFFF086;
	s6 =	sadd.s32 @!p0 s3, s7;
	s7 =	simm.s32 @!p0 $0x108  }
0x21: {  	s3 =	sadd.s32 s3, s9;
	s6 =	sadd.s32 @!p0 $0x88, s6;
	s7 =	simm.s32 @p2 $0x1082  }
0x22: {  	[simem:s7], [sflag:s8] =	dma.local @!p0 [hbm:s6], $0xF7A  }
0x23: {  	s9 =	sor.u32 $0xD0000000, s2;
	s6 =	simm.s32 $0x108;
	_ =	swait.ge @!p0 [sflag:s8], $0x0  }
0x24: {  	s3 =	sadd.s32 $0x88, s3;
	s6 =	simm.s32 @!p1 $0x1082;
	[sflag:s4] =	ssyncset.s32 $0xFFFFF086  }
0x25: {  	[simem:s6], [sflag:s4] =	dma.local [hbm:s3], $0xF7A  }
0x26: {  	[smem:$0x3F98] =	sst s1;
	(tag) =	ssettag s2;
	_ =	strace s9  }
0x27: {  	s1 =	sld [smem:$0x3FA8]  }
0x28: {  	s2 =	sld [smem:$0x3FA9]  }
0x29: {  	s4 =	sld [smem:$0x3FAB]  }
0x2a: {  	p0 =	seq.s32 s5, $0x0;
	s5 =	sld [smem:$0x3FAC]  }
0x2b: {  	s6 =	sld [smem:$0x3FAD]  }
0x2c: {  	s7 =	sld [smem:$0x3FAE]  }
0x2d: {  	s3 =	simm.s32 $0x108;
	s8 =	sld [smem:$0x3FAF]  }
0x2e: {  	s3 =	simm.s32 @!p0 $0x1082;
	s9 =	sld [smem:$0x3FB0]  }
0x2f: {  	lr =	sadd.s32 s0, s3;
	s0 =	sld [smem:$0x3FA7]  }
0x30: {  	s3 =	sld [smem:$0x3FAA]  }
0x31: {  	[smem:$0x3FB3] =	sst s10  }
0x32: {  	s10 =	sld [smem:$0x3FB1];
	_ =	sdelay $0x3  }
0x33: {  	p0 =	seq.s32 s10, $0x1;
	s10 =	sld [smem:$0x3FB3];
	_ =	sdelay $0x3  }
0x34: {  	[smem:$0x3FB3] =	sst s10  }
0x35: {  	s10 =	sld [smem:$0x3FB2];
	_ =	sdelay $0x3  }
0x36: {  	p1 =	seq.s32 s10, $0x1;
	s10 =	sld [smem:$0x3FB3];
	_ =	sdelay $0x3  }
0x37: {  	[smem:$0x3FB3] =	sst s10  }
0x38: {  	s10 =	sld [smem:$0x3FB4]  }
0x39: {  	_ = 	snop;
	(pc) =	sbr.ind lr, $3  }
0x3a: {  	_ = 	snop  }
0x3b: {  	_ = 	snop  }
0x3c: {  	p2 =	seq.s32 s10, $0x1;
	s10 =	sld [smem:$0x3FB3]  }
0x3d: {  	_ =	shalt  }
0x3e: {  	_ =	shalt  }
0x3f: {  	_ =	shalt  }
0x40: {  	_ =	shalt  }
0x41: {  	_ =	shalt  }
0x42: {  	_ =	shalt  }
0x43: {  	_ =	shalt  }
0x44: {  	_ =	shalt  }
0x45: {  	_ =	shalt  }
0x46: {  	_ =	shalt  }
0x47: {  	_ =	shalt  }
0x48: {  	_ =	shalt  }
0x49: {  	_ =	shalt  }
0x4a: {  	_ =	shalt  }
0x4b: {  	_ =	shalt  }
0x4c: {  	_ =	shalt  }
0x4d: {  	_ =	shalt  }
0x4e: {  	_ =	shalt  }
0x4f: {  	_ =	shalt  }
0x50: {  	_ =	shalt  }
0x51: {  	_ =	shalt  }
0x52: {  	_ =	shalt  }
0x53: {  	_ =	shalt  }
0x54: {  	_ =	shalt  }
0x55: {  	_ =	shalt  }
0x56: {  	_ =	shalt  }
0x57: {  	_ =	shalt  }
0x58: {  	_ =	shalt  }
0x59: {  	_ =	shalt  }
0x5a: {  	_ =	shalt  }
0x5b: {  	_ =	shalt  }
0x5c: {  	_ =	shalt  }
0x5d: {  	_ =	shalt  }
0x5e: {  	_ =	shalt  }
0x5f: {  	_ =	shalt  }
0x60: {  	_ =	shalt  }
0x61: {  	_ =	shalt  }
0x62: {  	_ =	shalt  }
0x63: {  	_ =	shalt  }
0x64: {  	_ =	shalt  }
0x65: {  	_ =	shalt  }
0x66: {  	_ =	shalt  }
0x67: {  	_ =	shalt  }
0x68: {  	_ =	shalt  }
0x69: {  	_ =	shalt  }
0x6a: {  	_ =	shalt  }
0x6b: {  	_ =	shalt  }
0x6c: {  	_ =	shalt  }
0x6d: {  	_ =	shalt  }
0x6e: {  	_ =	shalt  }
0x6f: {  	_ =	shalt  }
0x70: {  	_ =	shalt  }
0x71: {  	_ =	shalt  }
0x72: {  	_ =	shalt  }
0x73: {  	_ =	shalt  }
0x74: {  	_ =	shalt  }
0x75: {  	_ =	shalt  }
0x76: {  	_ =	shalt  }
0x77: {  	_ =	shalt  }
0x78: {  	_ =	shalt  }
0x79: {  	_ =	shalt  }
0x7a: {  	_ =	shalt  }
0x7b: {  	_ =	shalt  }
0x7c: {  	_ =	shalt  }
0x7d: {  	_ =	shalt  }
0x7e: {  	_ =	shalt  }
0x7f: {  	_ =	shalt  }
0x80: {  	_ =	shalt  }
0x81: {  	_ =	shalt  }
0x82: {  	_ =	shalt  }
0x83: {  	_ =	shalt  }
0x84: {  	_ =	shalt  }
0x85: {  	_ =	shalt  }
0x86: {  	_ =	shalt  }
0x87: {  	_ =	shalt  }
.Lfunc_end0:
.L_simem_size_0:
called_computation_lowered:
.L_overlay_start_0:
0x88: {  	s2 =	sld [smem:$0x3FD9]  }
0x89: {  	s3 =	sld [smem:$0x3FFE];
	_ =	sdelay $0x1  }
0x8a: {  	s1 =	srdreg.scid  }
0x8b: {  	s0 =	sand.u32 $0x1, s1  }
0x8c: {  	s17 =	sshll.u32 s0, $0xA;
	s2 =	sadd.s32 s3, s2  }
0x8d: {  	s2 =	sadd.s32 s2, s17  }
0x8e: {  	[smem:$0x3FBF] =	sst s2  }
0x8f: {  	_ = 	snop  }
0x90: {  	s2 =	sld [smem:$0x3FD0];
	(tm) =	ssettm $0x1  }
0x91: {  	s18 =	sld [smem:$0x3FFB];
	_ =	sdelay $0x3  }
0x92: {  	_ =	strace s18  }
0x93: {  	s3 =	sld [smem:$0x3FFC];
	_ =	sdelay $0x3  }
0x94: {  	_ =	strace s3  }
0x95: {  	s3 =	sld [smem:$0x3FFD];
	_ =	sdelay $0x3  }
0x96: {  	_ =	strace s3  }
0x97: {  	_ =	strace $0x8FFFFFFF  }
0x98: {  	s19 =	sld [smem:$0x3FDB];
	_ =	sdelay $0x1  }
0x99: {  	s4 =	simm.s32 $_scs_section_size  }
0x9a: {  	s5 =	simm.s32 $_size__tile_overlayer_lowered;
	s6 =	simm.s32 $_tile_overlayer_lowered  }
0x9b: {  	s22 =	simm.s32 $0x1BFF;
	s21 =	sshll.u32 s6, $0x1;
	s3 =	sadd.s32 s4, s19  }
0x9c: {  	s7 =	simm.s32 $0x0;
	s20 =	sshll.u32 s5, $0x1;
	s5 =	sadd.s32 s21, s3  }
0x9d: {  	[timem:s7], [sflag:s22] =	dma.local [hbm:s5], s20  }
0x9e: {  	_ =	swait.ge [sflag:s22], s20  }
0x9f: {  	s4 =	ssub.s32 $0x0, s20;
	[sflag:s22] =	ssyncset.done $0x0  }
0xa0: {  	[sflag:s22] =	ssyncadd.s32 s4;
	_ =	sdelay $0x1  }
0xa1: {  	s23 =	simm.s32 $0x1B8B  }
0xa2: {  	_ =	swait.ge [sflag:s23], $0x1  }
0xa3: {  	[sflag:s23] =	ssyncset.done $0x0  }
0xa4: {  	s25 =	simm.s32 $0x1B8E;
	s24 =	sld [smem:$0x3FFE];
	[sflag:s23] =	ssyncadd.s32 $0xFFFFFFFF  }
0xa5: {  	s26 =	simm.s32 $execute0_lowered;
	[smem:$0x3FD2] =	sst s25  }
0xa6: {  	s5 =	sshll.u32 s26, $0x1;
	_ =	strace $0x80000046;
	[dreg:$0x1] =	wrdreg $0xFFFFFFFF  }
0xa7: {  	s28 =	simm.s32 $_size_execute0_lowered;
	s3 =	sadd.s32 s3, s5;
	[dreg:$0x0] =	wrdreg $0x0  }
0xa8: {  	s5 =	sshll.u32 s28, $0x1;
	[dreg:$0x2] =	wrdreg s3  }
0xa9: {  	[dreg:$0x3] =	wrdreg s5  }
0xaa: {  	[dreg:$0x4] =	wrdreg $0xC0  }
0xab: {  	_ =	task [dreg:s7], $0x5FFFF  }
0xac: {  	[dreg:$0x1] =	wrdreg $0xFFFFFFFF  }
0xad: {  	[dreg:$0x0] =	wrdreg $0x60  }
0xae: {  	[dreg:$0x2] =	wrdreg s24  }
0xaf: {  	[dreg:$0x3] =	wrdreg s2  }
0xb0: {  	[dreg:$0x4] =	wrdreg $0xA7800  }
0xb1: {  	[dreg:$0x5] =	wrdreg $0x9  }
0xb2: {  	_ =	task.clear_ibuf [dreg:s7], $0x6FFFF;
	_ =	strace $0x90000046  }
0xb3: {  	s29 =	simm.s32 $0x9;
	_ =	strace $0x80000048  }
0xb4: {  	_ =	swait.ge [sflag:s29], $0x1  }
0xb5: {  	[sflag:s29] =	ssyncadd.s32 $0xFFFFFFFF  }
0xb6: {  	_ =	strace $0x90000048  }
0xb7: {  	_ =	sfence  }
0xb8: {  	s30 =	sld [smem:$0x0];
	_ =	sdelay $0x2  }
0xb9: {  	s31 =	sshll.u32 s1, $0xD;
	s1 =	sshrl.u32 s1, $0x2  }
0xba: {  	s3 =	sand.u32 $0x4000, s31;
	s1 =	sadd.s32 s1, s30  }
0xbb: {  	s0 =	sor.u32 s3, s0;
	s1 =	sshll.u32 s1, $0x11  }
0xbc: {  	s0 =	sor.u32 s1, s0  }
0xbd: {  	s0 =	sadd.s32 $0x8F2B, s0  }
0xbe: {  	[sflag:s0] =	ssyncadd.remote.s32 $0x1  }
0xbf: {  	_ =	sfence.sel $0xFFFF  }
0xc0: {  	[dreg:$0x0] =	wrdreg $0xFFFFFFFF;
	(pc) =	sbr.abs _section_cstart, $3  }
0xc1: {  	[dreg:$0x1] =	wrdreg $0xFFFFFFFF  }
0xc2: {  	_ =	task.clear_ibuf [dreg:s7], $0x2FFFF;
	_ =	strace $0x9FFFFFFF  }
0xc3: {  	(tm) =	ssettm $0x7FFFFFFF  }
tec
execute0_lowered:
.L_overlay_start_1:
0x0: {  	(tag) =	ssettag $0x1  }
0x1: {  	s5 =	rddreg [dreg:$0x0]  }
0x2: {  	s8 =	rddreg [dreg:$0x1]  }
0x3: {  	s1 =	rddreg [dreg:$0x2]  }
0x4: {  	s0 =	rddreg [dreg:$0x3];
	s2 =	stileid.u32  }
0x5: {  	s3 =	simm.s32 $0x0;
	s4 =	srdreg.scid;
	s6 =	smul.u32 $0x2710, s2  }
0x6: {  	[smem:$0x7FF] =	sst s3;
	s12 =	smul.u32 $0x4E200, s2  }
0x7: {  	s9 =	sand.u32 $0x1, s4;
	s19 =	sshll.u32 s2, $0x1;
	s26 =	smul.u32 $0x1388, s2  }
0x8: {  	s14 =	sadd.s32 $0x4E3200, s5;
	s4 =	sadd.s32 $0x1200, s5;
	s7 =	smul.u32 $0x27100, s9  }
0x9: {  	s10 =	sor.u32 s9, s19;
	s11 =	ssub.s32 $0x2, s9;
	s28 =	smul.u32 $0x9C4, s9  }
0xa: {  	_ =	strace $0x80000047;
	s10 =	smul.u32 $0x9C4, s10;
	s20 =	sshrl.u32 s11, $0x1  }
0xb: {  	s22 =	sshrl.u32 s12, $0x2;
	s6 =	sadd.s32 s6, s7;
	s15 =	ssub.s32 s11, s20  }
0xc: {  	s17 =	sadd.s32 s22, s1;
	s11 =	sadd.s32 s28, s26;
	s20 =	simm.s32 $0x0  }
0xd: {  	s13 =	sadd.s32 s6, s5;
	s21 =	sadd.s32 $0x9C4, s10;
	s16 =	sshrl.u32 s10, $0x5  }
0xe: {  	s6 =	sshll.u32 s2, $0x6;
	s24 =	sshrl.u32 s10, $0x1;
	s5 =	sshrl.u32 s21, $0x5  }
0xf: {  	s10 =	sshll.u32 s10, $0x6;
	s7 =	sor.u32 $0x1C03, s6;
	s23 =	ssub.s32 s5, s16  }
0x10: {  	s12 =	sand.u32 $0xFFF0, s24;
	s10 =	sand.u32 $0x7FF800, s10;
	s18 =	sadd.s32 $0x1, s23  }
0x11: {  	s8 =	sadd.s32 s8, s12;
	s9 =	sadd.s32 s14, s10;
	s19 =	sand.u32 $0x8000, s18  }
0x12: {  	s10 =	simm.s32 $0x1;
	p0 =	slt.s32 s23, $0x0;
	s25 =	sshrl.u32 s19, $0xF  }
0x13: {  	s19 =	sshrl.u32 s11, $0x5;
	s12 =	sadd.s32 s25, s18;
	s18 =	sand.u32 $0x1, s18  }
0x14: {  	s31 =	sshll.u32 s19, $0xB;
	p1 =	seq.s32 s18, $0x1;
	s29 =	sshll.u32 s12, $0x10  }
0x15: {  	s12 =	simm.s32 $0x1;
	s14 =	sadd.s32 s31, s14;
	p0 =	por !p0, !p1  }
.Ltmp0:
0x16: {  	s18 =	simm.s32 $0x3;
	p0 =	por !p0, !p0;
	(pc) =	sbr.rel .LBB2_1-.Ltmp0, $4  }
0x17: {  	s30 =	sshra.s32 s29, $0x11;
	s14 =	sadd.s32 $0x1000, s14;
	s12 =	simm.s32 @!p0 $0x0  }
0x18: {  	p0 =	sle.u32 s5, s16;
	s16 =	sshrl.u32 s17, $0x3;
	s17 =	simm.s32 $0x8000  }
0x19: {  	s11 =	ssub.s32 s30, s12;
	s12 =	sadd.s32 $0x3A00, s13;
	s13 =	smax.u32 s15, $0x1  }
0x1a: {  	s15 =	sadd.s32 $0x2, s19;
	s19 =	simm.s32 $0x4;
	p1 =	slt.s32 s11, $0x1  }
.LBB2_4:
0x1b: {  	[sflag:s25] =	ssyncset.done @!p2 $0x0  }
0x1c: {  	[sflag:s25] =	ssyncadd.s32 @!p2 $0xFFFFC000  }
.LBB2_5:
0x1d: {  	s20 =	sadd.s32 $0x1, s20  }
0x1e: {  	p2 =	sne.s32 s20, s13  }
.Ltmp1:
0x1f: {  	[bflag:$0x0] =	sbarrier.arrive $0xFFFF;
	s21 =	sor.u32 $0x1C04, s6;
	(pc) =	sbr.rel @!p2 .LBB2_6-.Ltmp1, $4  }
0x20: {  	[hbm:s12], [sflag:s21] =	dma.local [spmem:s16], $0x2710  }
0x21: {  	_ =	swait.ge [sflag:s19], $0x2710  }
0x22: {  	[sflag:s19] =	ssyncset.done $0x0  }
0x23: {  	[sflag:s19] =	ssyncadd.s32 $0xFFFFD8F0  }
.LBB2_1:
0x24: {  	[spmem:s16], [sflag:s7] =	dma.local [hbm:s4], $0x2710  }
0x25: {  	[tilespmem:s17], [sflag:$0x1] =	stream.linear.gather [hbm4b:s8+s3], $0x2780, $0x38;
	[tilespmem:$0x1E000] =	vst v63  }
0x26: {  	_ =	swait.ge [sflag:s18], $0x2710  }
0x27: {  	[sflag:s18] =	ssyncset.done $0x0  }
0x28: {  	[sflag:s18] =	ssyncadd.s32 $0xFFFFD8F0  }
.Ltmp2:
0x29: {  	_ =	swait.ge [sflag:s10], $0x2780;
	(pc) =	sbr.rel @p1 .LBB2_5-.Ltmp2, $4  }
0x2a: {  	[sflag:s10] =	ssyncset.done $0x0  }
0x2b: {  	[sflag:s10] =	ssyncadd.s32 $0xFFFFD880  }
0x2c: {  	s21 =	simm.s32 @!p0 $0x0;
	[bflag:$0x0] =	sbarrier.arrive $0xFFFF  }
0x2d: {  	[tilespmem:s21], [sflag:$0x1] =	stream.linear.gather @!p0 [hbm4b:s9+s21], $0x4000, $0x38;
	[tilespmem:$0x1E000] =	vst v63  }
0x2e: {  	s21 =	sadd.s32 $0xFFFFFFFF, s15  }
0x2f: {  	_ =	swait.ge [sflag:s10], $0x4000;
	p2 =	sge.u32 s21, s5  }
0x30: {  	[sflag:s10] =	ssyncset.done $0x0;
	s21 =	simm.s32 @p2 $0x80  }
0x31: {  	s22 =	simm.s32 @p2 $0x0;
	[sflag:s10] =	ssyncadd.s32 $0xFFFFC000;
	s23 =	simm.s32 @p2 $0x5  }
0x32: {  	[spmem:s1] =	stream.indirect.scatter.add.f32 @p2 [tilespmem:s22], [sflag:$0x5], $0x80, s17, s21, $0xb8;
	[tilespmem:$0x1E000] =	vst v63  }
0x33: {  	_ =	swait.ge @p2 [sflag:s23], $0x4000  }
0x34: {  	s24 =	simm.s32 @!p2 $0x0;
	[sflag:s23] =	ssyncset.done @p2 $0x0  }
0x35: {  	s22 =	simm.s32 @!p2 $0x4000;
	s21 =	sadd.s32 @!p2 $0xFFFFF800, s14;
	[sflag:s23] =	ssyncadd.s32 @p2 $0xFFFFC000  }
0x36: {  	[tilespmem:s22], [sflag:$0x2] =	stream.linear.gather @!p2 [hbm4b:s21+s24], $0x4000, $0x38;
	[tilespmem:$0x1E000] =	vst v63  }
0x37: {  	s23 =	simm.s32 @!p2 $0x80;
	s21 =	simm.s32 @!p2 $0x5  }
0x38: {  	[spmem:s1] =	stream.indirect.scatter.add.f32 @!p2 [tilespmem:s24], [sflag:$0x5], $0x80, s17, s23, $0xb8;
	[tilespmem:$0x1E000] =	vst v63  }
0x39: {  	_ =	swait.ge @!p2 [sflag:s21], $0x4000  }
0x3a: {  	[sflag:s21] =	ssyncset.done @!p2 $0x0  }
0x3b: {  	s24 =	simm.s32 @!p2 $0x2;
	[sflag:s21] =	ssyncadd.s32 @!p2 $0xFFFFC000  }
0x3c: {  	p3 =	sge.u32 @!p2 s15, s5;
	_ =	swait.ge @!p2 [sflag:s24], $0x4000  }
0x3d: {  	p3 =	por p3, p2;
	[sflag:s24] =	ssyncset.done @!p2 $0x0  }
0x3e: {  	s21 =	simm.s32 @!p3 $0x0;
	[sflag:s24] =	ssyncadd.s32 @!p2 $0xFFFFC000  }
0x3f: {  	[tilespmem:s21], [sflag:$0x1] =	stream.linear.gather @!p3 [hbm4b:s14+s21], $0x4000, $0x38;
	[tilespmem:$0x1E000] =	vst v63  }
0x40: {  	s21 =	sadd.s32 $0x1, s3  }
0x41: {  	p3 =	slt.s32 s21, s11  }
.Ltmp3:
0x42: {  	_ = 	snop;
	(pc) =	sbr.rel @!p3 .LBB2_4-.Ltmp3, $4  }
0x43: {  	s24 =	sadd.s32 @!p2 $0x80, s17  }
0x44: {  	[spmem:s1] =	stream.indirect.scatter.add.f32 @!p2 [tilespmem:s22], [sflag:$0x4], $0x80, s24, s23, $0xb8;
	[tilespmem:$0x1E000] =	vst v63  }
0x45: {  	s25 =	simm.s32 @!p2 $0x4;
	s22 =	sadd.s32 $0x1000, s14  }
0x46: {  	s23 =	sadd.s32 $0x2, s15;
	s24 =	simm.s32 $0x8000;
	_ =	swait.ge @!p2 [sflag:s25], $0x4000  }
.LBB2_3:
0x47: {  	s21 =	sadd.s32 $0x1, s21;
	[sflag:s25] =	ssyncset.done @!p2 $0x0;
	s24 =	sadd.s32 $0x100, s24  }
0x48: {  	s26 =	sadd.s32 $0xFFFFFFFF, s23;
	p3 =	slt.s32 s21, s11;
	[sflag:s25] =	ssyncadd.s32 @!p2 $0xFFFFC000  }
0x49: {  	p2 =	sge.u32 s26, s5;
	_ =	swait.ge [sflag:s10], $0x4000  }
0x4a: {  	s25 =	simm.s32 @p2 $0x80;
	s26 =	simm.s32 @p2 $0x0;
	[sflag:s10] =	ssyncset.done $0x0  }
0x4b: {  	s28 =	simm.s32 @p2 $0x5;
	p4 =	sge.u32 @!p2 s23, s5;
	[sflag:s10] =	ssyncadd.s32 $0xFFFFC000  }
0x4c: {  	[spmem:s1] =	stream.indirect.scatter.add.f32 @p2 [tilespmem:s26], [sflag:$0x5], $0x80, s24, s25, $0xb8;
	[tilespmem:$0x1E000] =	vst v63  }
0x4d: {  	p4 =	por p4, p2;
	s26 =	simm.s32 @!p2 $0x4000;
	_ =	swait.ge @p2 [sflag:s28], $0x4000  }
0x4e: {  	s29 =	simm.s32 @!p2 $0x0;
	s25 =	sadd.s32 @!p2 $0xFFFFF800, s22;
	[sflag:s28] =	ssyncset.done @p2 $0x0  }
0x4f: {  	[sflag:s28] =	ssyncadd.s32 @p2 $0xFFFFC000;
	s28 =	simm.s32 @!p2 $0x80  }
0x50: {  	[tilespmem:s26], [sflag:$0x2] =	stream.linear.gather @!p2 [hbm4b:s25+s29], $0x4000, $0x38;
	[tilespmem:$0x1E000] =	vst v63  }
0x51: {  	s25 =	simm.s32 @!p2 $0x5  }
0x52: {  	[spmem:s1] =	stream.indirect.scatter.add.f32 @!p2 [tilespmem:s29], [sflag:$0x5], $0x80, s24, s28, $0xb8;
	[tilespmem:$0x1E000] =	vst v63  }
0x53: {  	_ =	swait.ge @!p2 [sflag:s25], $0x4000  }
0x54: {  	s29 =	simm.s32 @!p2 $0x2;
	[sflag:s25] =	ssyncset.done @!p2 $0x0  }
0x55: {  	[sflag:s25] =	ssyncadd.s32 @!p2 $0xFFFFC000  }
0x56: {  	_ =	swait.ge @!p2 [sflag:s29], $0x4000  }
0x57: {  	s25 =	simm.s32 @!p4 $0x0;
	[sflag:s29] =	ssyncset.done @!p2 $0x0  }
.Ltmp4:
0x58: {  	[sflag:s29] =	ssyncadd.s32 @!p2 $0xFFFFC000;
	s29 =	sadd.s32 @!p2 $0x80, s24;
	(pc) =	sbr.rel @p3 .LBB2_3-.Ltmp4, $4  }
0x59: {  	[tilespmem:s25], [sflag:$0x1] =	stream.linear.gather @!p4 [hbm4b:s22+s25], $0x4000, $0x38;
	[tilespmem:$0x1E000] =	vst v63  }
0x5a: {  	s25 =	simm.s32 @!p2 $0x4  }
0x5b: {  	[spmem:s1] =	stream.indirect.scatter.add.f32 @!p2 [tilespmem:s26], [sflag:$0x4], $0x80, s29, s28, $0xb8;
	[tilespmem:$0x1E000] =	vst v63  }
0x5c: {  	s23 =	sadd.s32 $0x2, s23;
	s22 =	sadd.s32 $0x1000, s22;
	_ =	swait.ge @!p2 [sflag:s25], $0x4000  }
.Ltmp5:
0x5d: {  	_ = 	snop;
	(pc) =	sbr.rel .LBB2_4-.Ltmp5, $1  }
0x5e: {  	_ =	sdelay $0x3  }
.LBB2_6:
0x5f: {  	_ =	sfence.sel $0x180000  }
0x60: {  	[bflag:$0x0] =	sbarrier.arrive $0xFFFF  }
0x61: {  	p0 =	sne.s32 s2, $0x0;
	_ =	strace $0x90000047  }
0x62: {  	s0 =	sadd.s32 @!p0 $0x100000, s0;
	[bflag:$0x2] =	sbarrier.arrive $0xFFFF  }
0x63: {  	[sflag:s0] =	ssyncadd.tile.s32 @!p0 $0x1;
	_ =	shalt  }
.Lfunc_end2:
_tile_overlayer_lowered:
.L_overlay_start_2:
0x64: {  	(tag) =	ssettag $0x2  }
0x65: {  	s0 =	rddreg [dreg:$0x0];
	s2 =	stileid.u32  }
0x66: {  	s1 =	rddreg [dreg:$0x1];
	p0 =	sne.s32 s2, $0x0  }
0x67: {  	s3 =	rddreg [dreg:$0x2];
	[bflag:$0x3] =	sbarrier.arrive $0xFFFF;
	s2 =	simm.s32 @!p0 $0x1C04  }
0x68: {  	[timem:s3], [sflag:s2] =	dma.local @!p0 [hbm:s0], s1  }
0x69: {  	s0 =	simm.s32 @!p0 $0x4  }
0x6a: {  	_ =	swait.ge @!p0 [sflag:s0], s1  }
0x6b: {  	s1 =	ssub.s32 @!p0 $0x0, s1;
	[sflag:s0] =	ssyncset.done @!p0 $0x0  }
0x6c: {  	[sflag:s0] =	ssyncadd.s32 @!p0 s1  }
0x6d: {  	[bflag:$0x3] =	sbarrier.arrive $0xFFFF  }
0x6e: {  	_ =	shalt  }

</sc_bundles>
